<compile_context>
chip_gen: v7x
topology: tpu7x:2x2x1
jax: 0.10.2.dev20260603
libtpu: 0.0.44.dev20260713+nightly
codegen_flags: <defaults>
</compile_context>

<pallas_src>
import functools

import jax
import jax.numpy as jnp
from jax import lax
from jax.experimental import pallas as pl
from jax.experimental.pallas import tpu as pltpu
from jax.experimental.pallas import tpu_sc as plsc

_NS = 16
_L = 16
_TCOLS = 640


def _table_body(wemb_ref, whf_ref, bh_ref, t_ref):
    h_rows = t_ref.shape[0]
    d = wemb_ref.shape[1]
    wh = jnp.concatenate(
        [whf_ref[0:1, i * d:(i + 1) * d] for i in range(h_rows)], axis=0
    )
    dn = (((1,), (1,)), ((), ()))
    t = lax.dot_general(
        wh, wemb_ref[...], dimension_numbers=dn,
        preferred_element_type=jnp.float32,
    )
    t_ref[:, 0:512] = t + bh_ref[...].reshape(h_rows, 1)
    c = jnp.sum(wh, axis=1, keepdims=True)
    t_ref[:, 512:_TCOLS] = jnp.broadcast_to(c, (h_rows, _TCOLS - 512))


def _make_sc_combine(B, S, h_rows):
    chunk = B * S // _NS
    per_row = S // chunk
    n_it = chunk // _L
    mesh = plsc.VectorSubcoreMesh(
        core_axis_name="c", subcore_axis_name="s", num_cores=1
    )

    @functools.partial(
        pl.kernel,
        mesh=mesh,
        compiler_params=pltpu.CompilerParams(needs_layout_passes=False),
        out_type=jax.ShapeDtypeStruct((B * S,), jnp.float32),
        scratch_types=[
            pltpu.VMEM((chunk,), jnp.int32),
            pltpu.VMEM((chunk,), jnp.int32),
            pltpu.VMEM((chunk,), jnp.float32),
            pltpu.VMEM((chunk,), jnp.float32),
            pltpu.VMEM((h_rows, _TCOLS), jnp.float32),
            pltpu.VMEM((chunk,), jnp.float32),
            pltpu.SemaphoreType.DMA,
        ],
    )
    def sc_combine(sel_hbm, tsk_hbm, val_hbm, msk_hbm, t_hbm, out_hbm,
                   sel_v, tsk_v, val_v, msk_v, t_v, out_v, sem):
        wid = lax.axis_index("s")
        b = wid // per_row
        s0 = (wid % per_row) * chunk
        cps = [
            pltpu.async_copy(t_hbm, t_v, sem),
            pltpu.async_copy(sel_hbm.at[b, pl.ds(s0, chunk)], sel_v, sem),
            pltpu.async_copy(tsk_hbm.at[b, pl.ds(s0, chunk)], tsk_v, sem),
            pltpu.async_copy(val_hbm.at[b, pl.ds(s0, chunk)], val_v, sem),
            pltpu.async_copy(msk_hbm.at[b, pl.ds(s0, chunk)], msk_v, sem),
        ]
        for cp in cps:
            cp.wait()

        c_col = jnp.full((_L,), 512, jnp.int32)

        def it(i, carry):
            ds = pl.ds(i * _L, _L)
            tsk = tsk_v[ds]
            tval = plsc.load_gather(t_v, [tsk, sel_v[ds]])
            cval = plsc.load_gather(t_v, [tsk, c_col])
            out_v[ds] = tval + val_v[ds] * msk_v[ds] * cval
            return carry

        lax.fori_loop(0, n_it, it, 0)
        pltpu.sync_copy(out_v, out_hbm.at[pl.ds(wid * chunk, chunk)])

    return sc_combine


def kernel(selfies, tasks, values, property_mask, W_emb, W_heads, b_heads):
    B, S = selfies.shape
    V, D = W_emb.shape
    H, _, O = W_heads.shape

    t_tab = pl.pallas_call(
        _table_body,
        out_shape=jax.ShapeDtypeStruct((H, _TCOLS), jnp.float32),
    )(W_emb, W_heads.reshape(1, H * D), b_heads.reshape(1, H))

    out_flat = _make_sc_combine(B, S, H)(
        selfies.astype(jnp.int32),
        tasks.astype(jnp.int32),
        values,
        property_mask,
        t_tab,
    )
    return out_flat.reshape(B, S, O)

# --- scband reference (transcript-rebuilt; emitter-appended) ---
"""Pipeline reference for scband-multitask-heads-23493471109247 (READ-ONLY COPY).

The authoritative reference and input builder live on the scoring server;
editing this copy changes nothing except your own understanding.
"""

import jax, jax.numpy as jnp
import numpy as np

B, S, D, V, H, O = 4, 8192, 768, 512, 8, 1


def setup_inputs(seed: int = 0) -> dict:
    key = jax.random.key(seed)
    ks = jax.random.split(key, 7)
    return {
        "selfies": jax.random.randint(ks[0], (B, S), 0, V),
        "tasks": jax.random.randint(ks[1], (B, S), 0, H),
        "values": jax.random.normal(ks[2], (B, S), dtype=jnp.float32),
        "property_mask": jax.random.uniform(ks[3], (B, S), dtype=jnp.float32),
        "W_emb": jax.random.normal(ks[4], (V, D), dtype=jnp.float32) * 0.02,
        "W_heads": jax.random.normal(ks[5], (H, D, O), dtype=jnp.float32) * 0.02,
        "b_heads": jnp.zeros((H, O), dtype=jnp.float32),
    }


def reference(selfies, tasks, values, property_mask, W_emb, W_heads, b_heads):
    # shared_base: embedding lookup over selfies tokens plus masked value injection
    shared = jnp.take(W_emb, selfies, axis=0) + (values * property_mask)[:, :, None]  # [B,S,D]
    # routing_module: task token -> head index (all valid, in [0, H))
    head_indices = tasks  # [B,S]
    # every needed head is applied to the FULL shared_output (as in the torch loop
    # over unique_heads_needed; with random tasks all H heads are needed)
    all_outs = jnp.einsum('bsd,hdo->bhso', shared, W_heads) + b_heads[None, :, None, :]  # [B,H,S,O]
    # output[mask] = task_outputs[head_idx][mask]  ==  per-token gather along head axis
    b_idx = jnp.arange(B)[:, None]
    s_idx = jnp.arange(S)[None, :]
    output = all_outs[b_idx, head_indices, s_idx]  # [B,S,O]
    return output

if __name__ == "__main__":
    import jax
    _d = setup_inputs()
    print(jax.jit(kernel)(*tuple(_d.values())))

</pallas_src>

<mosaic_0001>
#map = affine_map<(d0, d1) -> (0, 0)>
#map1 = affine_map<(d0, d1) -> (0)>
module attributes {stable_mosaic.version = 14 : i64} {
  func.func @sc_combine(%arg0: i32, %arg1: i32, %arg2: memref<4x8192xi32, #tpu.memory_space<hbm>>, %arg3: memref<4x8192xi32, #tpu.memory_space<hbm>>, %arg4: memref<4x8192xf32, #tpu.memory_space<hbm>>, %arg5: memref<4x8192xf32, #tpu.memory_space<hbm>>, %arg6: memref<8x640xf32, #tpu.memory_space<hbm>>, %arg7: memref<32768xf32, #tpu.memory_space<hbm>>, %arg8: memref<2048xi32, #tpu.memory_space<vmem>>, %arg9: memref<2048xi32, #tpu.memory_space<vmem>>, %arg10: memref<2048xf32, #tpu.memory_space<vmem>>, %arg11: memref<2048xf32, #tpu.memory_space<vmem>>, %arg12: memref<8x640xf32, #tpu.memory_space<vmem>>, %arg13: memref<2048xf32, #tpu.memory_space<vmem>>, %arg14: memref<!tpu.dma_semaphore, #tpu.memory_space<semaphore_mem>>) attributes {dimension_semantics = [#tpu.dimension_semantics<core_parallel>, #tpu.dimension_semantics<subcore_parallel>], iteration_bounds = array<i64: 1, 16>, scalar_prefetch = 0 : i64, scratch_operands = 7 : i64, tpu.core_type = #tpu.core_type<sc_vector_subcore>, window_params = [{transform_indices = #map}, {transform_indices = #map}, {transform_indices = #map}, {transform_indices = #map}, {transform_indices = #map}, {transform_indices = #map1}]} {
    %jit3A = arith.constant 4 : i32
    %div3A = arith.divsi %arg1, %jit3A : i32
    %sign3A = arith.constant 0 : i32
    %sign3A_0 = arith.cmpi sgt, %arg1, %sign3A : i32
    %sign3A_1 = arith.extui %sign3A_0 : i1 to i32
    %sign3A_2 = arith.constant 0 : i32
    %sign3A_3 = arith.cmpi slt, %arg1, %sign3A_2 : i32
    %sign3A_4 = arith.extui %sign3A_3 : i1 to i32
    %sign3A_5 = arith.subi %sign3A_1, %sign3A_4 : i32
    %sign3A_6 = arith.constant 0 : i32
    %sign3A_7 = arith.cmpi sgt, %jit3A, %sign3A_6 : i32
    %sign3A_8 = arith.extui %sign3A_7 : i1 to i32
    %sign3A_9 = arith.constant 0 : i32
    %sign3A_10 = arith.cmpi slt, %jit3A, %sign3A_9 : i32
    %sign3A_11 = arith.extui %sign3A_10 : i1 to i32
    %sign3A_12 = arith.subi %sign3A_8, %sign3A_11 : i32
    %ne3A = arith.cmpi ne, %sign3A_5, %sign3A_12 : i32
    %rem3A = arith.remsi %arg1, %jit3A : i32
    %ne3A_13 = arith.constant 0 : i32
    %ne3A_14 = arith.cmpi ne, %rem3A, %ne3A_13 : i32
    %and3A = arith.andi %ne3A, %ne3A_14 : i1
    %sub3A = arith.constant 1 : i32
    %sub3A_15 = arith.subi %div3A, %sub3A : i32
    %select_n3A = arith.select %and3A, %sub3A_15, %div3A : i32
    %jit3A_16 = arith.constant 4 : i32
    %eq3A = arith.constant 0 : i32
    %eq3A_17 = arith.cmpi eq, %jit3A_16, %eq3A : i32
    %jit3A_18 = arith.constant 1 : i32
    %select_n3A_19 = arith.select %eq3A_17, %jit3A_18, %jit3A_16 : i32
    %rem3A_20 = arith.remsi %arg1, %select_n3A_19 : i32
    %ne3A_21 = arith.constant 0 : i32
    %ne3A_22 = arith.cmpi ne, %rem3A_20, %ne3A_21 : i32
    %lt3A = arith.constant 0 : i32
    %lt3A_23 = arith.cmpi slt, %rem3A_20, %lt3A : i32
    %lt3A_24 = arith.constant 0 : i32
    %lt3A_25 = arith.cmpi slt, %select_n3A_19, %lt3A_24 : i32
    %ne3A_26 = arith.xori %lt3A_23, %lt3A_25 : i1
    %and3A_27 = arith.andi %ne3A_26, %ne3A_22 : i1
    %add3A = arith.addi %rem3A_20, %select_n3A_19 : i32
    %select_n3A_28 = arith.select %and3A_27, %add3A, %rem3A_20 : i32
    %mul3A = arith.constant 2048 : i32
    %mul3A_29 = arith.muli %select_n3A_28, %mul3A : i32
    tpu.enqueue_dma source(%arg6 : memref<8x640xf32, #tpu.memory_space<hbm>>) target(%arg12 : memref<8x640xf32, #tpu.memory_space<vmem>>) target_semaphore(%arg14 : memref<!tpu.dma_semaphore, #tpu.memory_space<semaphore_mem>>)
    %dma_start3A = tpu.memref_slice %arg2[%select_n3A, %mul3A_29] : memref<4x8192xi32, #tpu.memory_space<hbm>> -> memref<1x2048xi32, #tpu.memory_space<hbm>>
    %dma_start3A_30 = tpu.memref_squeeze %dma_start3A : memref<1x2048xi32, #tpu.memory_space<hbm>> -> memref<2048xi32, #tpu.memory_space<hbm>>
    %dma_start3A_31 = tpu.memref_slice %arg2[%select_n3A, %mul3A_29] : memref<4x8192xi32, #tpu.memory_space<hbm>> -> memref<1x2048xi32, #tpu.memory_space<hbm>>
    %dma_start3A_32 = tpu.memref_squeeze %dma_start3A_31 : memref<1x2048xi32, #tpu.memory_space<hbm>> -> memref<2048xi32, #tpu.memory_space<hbm>>
    tpu.enqueue_dma source(%dma_start3A_32 : memref<2048xi32, #tpu.memory_space<hbm>>) target(%arg8 : memref<2048xi32, #tpu.memory_space<vmem>>) target_semaphore(%arg14 : memref<!tpu.dma_semaphore, #tpu.memory_space<semaphore_mem>>)
    %dma_start3A_33 = tpu.memref_slice %arg3[%select_n3A, %mul3A_29] : memref<4x8192xi32, #tpu.memory_space<hbm>> -> memref<1x2048xi32, #tpu.memory_space<hbm>>
    %dma_start3A_34 = tpu.memref_squeeze %dma_start3A_33 : memref<1x2048xi32, #tpu.memory_space<hbm>> -> memref<2048xi32, #tpu.memory_space<hbm>>
    %dma_start3A_35 = tpu.memref_slice %arg3[%select_n3A, %mul3A_29] : memref<4x8192xi32, #tpu.memory_space<hbm>> -> memref<1x2048xi32, #tpu.memory_space<hbm>>
    %dma_start3A_36 = tpu.memref_squeeze %dma_start3A_35 : memref<1x2048xi32, #tpu.memory_space<hbm>> -> memref<2048xi32, #tpu.memory_space<hbm>>
    tpu.enqueue_dma source(%dma_start3A_36 : memref<2048xi32, #tpu.memory_space<hbm>>) target(%arg9 : memref<2048xi32, #tpu.memory_space<vmem>>) target_semaphore(%arg14 : memref<!tpu.dma_semaphore, #tpu.memory_space<semaphore_mem>>)
    %dma_start3A_37 = tpu.memref_slice %arg4[%select_n3A, %mul3A_29] : memref<4x8192xf32, #tpu.memory_space<hbm>> -> memref<1x2048xf32, #tpu.memory_space<hbm>>
    %dma_start3A_38 = tpu.memref_squeeze %dma_start3A_37 : memref<1x2048xf32, #tpu.memory_space<hbm>> -> memref<2048xf32, #tpu.memory_space<hbm>>
    %dma_start3A_39 = tpu.memref_slice %arg4[%select_n3A, %mul3A_29] : memref<4x8192xf32, #tpu.memory_space<hbm>> -> memref<1x2048xf32, #tpu.memory_space<hbm>>
    %dma_start3A_40 = tpu.memref_squeeze %dma_start3A_39 : memref<1x2048xf32, #tpu.memory_space<hbm>> -> memref<2048xf32, #tpu.memory_space<hbm>>
    tpu.enqueue_dma source(%dma_start3A_40 : memref<2048xf32, #tpu.memory_space<hbm>>) target(%arg10 : memref<2048xf32, #tpu.memory_space<vmem>>) target_semaphore(%arg14 : memref<!tpu.dma_semaphore, #tpu.memory_space<semaphore_mem>>)
    %dma_start3A_41 = tpu.memref_slice %arg5[%select_n3A, %mul3A_29] : memref<4x8192xf32, #tpu.memory_space<hbm>> -> memref<1x2048xf32, #tpu.memory_space<hbm>>
    %dma_start3A_42 = tpu.memref_squeeze %dma_start3A_41 : memref<1x2048xf32, #tpu.memory_space<hbm>> -> memref<2048xf32, #tpu.memory_space<hbm>>
    %dma_start3A_43 = tpu.memref_slice %arg5[%select_n3A, %mul3A_29] : memref<4x8192xf32, #tpu.memory_space<hbm>> -> memref<1x2048xf32, #tpu.memory_space<hbm>>
    %dma_start3A_44 = tpu.memref_squeeze %dma_start3A_43 : memref<1x2048xf32, #tpu.memory_space<hbm>> -> memref<2048xf32, #tpu.memory_space<hbm>>
    tpu.enqueue_dma source(%dma_start3A_44 : memref<2048xf32, #tpu.memory_space<hbm>>) target(%arg11 : memref<2048xf32, #tpu.memory_space<vmem>>) target_semaphore(%arg14 : memref<!tpu.dma_semaphore, #tpu.memory_space<semaphore_mem>>)
    tpu.wait_dma2 semaphore(%arg14 : memref<!tpu.dma_semaphore, #tpu.memory_space<semaphore_mem>>) src(%arg6 : memref<8x640xf32, #tpu.memory_space<hbm>>) dst(%arg12 : memref<8x640xf32, #tpu.memory_space<vmem>>)
    %dma_wait3A = tpu.memref_slice %arg2[%select_n3A, %mul3A_29] : memref<4x8192xi32, #tpu.memory_space<hbm>> -> memref<1x2048xi32, #tpu.memory_space<hbm>>
    %dma_wait3A_45 = tpu.memref_squeeze %dma_wait3A : memref<1x2048xi32, #tpu.memory_space<hbm>> -> memref<2048xi32, #tpu.memory_space<hbm>>
    %dma_wait3A_46 = tpu.memref_slice %arg2[%select_n3A, %mul3A_29] : memref<4x8192xi32, #tpu.memory_space<hbm>> -> memref<1x2048xi32, #tpu.memory_space<hbm>>
    %dma_wait3A_47 = tpu.memref_squeeze %dma_wait3A_46 : memref<1x2048xi32, #tpu.memory_space<hbm>> -> memref<2048xi32, #tpu.memory_space<hbm>>
    tpu.wait_dma2 semaphore(%arg14 : memref<!tpu.dma_semaphore, #tpu.memory_space<semaphore_mem>>) src(%dma_wait3A_47 : memref<2048xi32, #tpu.memory_space<hbm>>) dst(%arg8 : memref<2048xi32, #tpu.memory_space<vmem>>)
    %dma_wait3A_48 = tpu.memref_slice %arg3[%select_n3A, %mul3A_29] : memref<4x8192xi32, #tpu.memory_space<hbm>> -> memref<1x2048xi32, #tpu.memory_space<hbm>>
    %dma_wait3A_49 = tpu.memref_squeeze %dma_wait3A_48 : memref<1x2048xi32, #tpu.memory_space<hbm>> -> memref<2048xi32, #tpu.memory_space<hbm>>
    %dma_wait3A_50 = tpu.memref_slice %arg3[%select_n3A, %mul3A_29] : memref<4x8192xi32, #tpu.memory_space<hbm>> -> memref<1x2048xi32, #tpu.memory_space<hbm>>
    %dma_wait3A_51 = tpu.memref_squeeze %dma_wait3A_50 : memref<1x2048xi32, #tpu.memory_space<hbm>> -> memref<2048xi32, #tpu.memory_space<hbm>>
    tpu.wait_dma2 semaphore(%arg14 : memref<!tpu.dma_semaphore, #tpu.memory_space<semaphore_mem>>) src(%dma_wait3A_51 : memref<2048xi32, #tpu.memory_space<hbm>>) dst(%arg9 : memref<2048xi32, #tpu.memory_space<vmem>>)
    %dma_wait3A_52 = tpu.memref_slice %arg4[%select_n3A, %mul3A_29] : memref<4x8192xf32, #tpu.memory_space<hbm>> -> memref<1x2048xf32, #tpu.memory_space<hbm>>
    %dma_wait3A_53 = tpu.memref_squeeze %dma_wait3A_52 : memref<1x2048xf32, #tpu.memory_space<hbm>> -> memref<2048xf32, #tpu.memory_space<hbm>>
    %dma_wait3A_54 = tpu.memref_slice %arg4[%select_n3A, %mul3A_29] : memref<4x8192xf32, #tpu.memory_space<hbm>> -> memref<1x2048xf32, #tpu.memory_space<hbm>>
    %dma_wait3A_55 = tpu.memref_squeeze %dma_wait3A_54 : memref<1x2048xf32, #tpu.memory_space<hbm>> -> memref<2048xf32, #tpu.memory_space<hbm>>
    tpu.wait_dma2 semaphore(%arg14 : memref<!tpu.dma_semaphore, #tpu.memory_space<semaphore_mem>>) src(%dma_wait3A_55 : memref<2048xf32, #tpu.memory_space<hbm>>) dst(%arg10 : memref<2048xf32, #tpu.memory_space<vmem>>)
    %dma_wait3A_56 = tpu.memref_slice %arg5[%select_n3A, %mul3A_29] : memref<4x8192xf32, #tpu.memory_space<hbm>> -> memref<1x2048xf32, #tpu.memory_space<hbm>>
    %dma_wait3A_57 = tpu.memref_squeeze %dma_wait3A_56 : memref<1x2048xf32, #tpu.memory_space<hbm>> -> memref<2048xf32, #tpu.memory_space<hbm>>
    %dma_wait3A_58 = tpu.memref_slice %arg5[%select_n3A, %mul3A_29] : memref<4x8192xf32, #tpu.memory_space<hbm>> -> memref<1x2048xf32, #tpu.memory_space<hbm>>
    %dma_wait3A_59 = tpu.memref_squeeze %dma_wait3A_58 : memref<1x2048xf32, #tpu.memory_space<hbm>> -> memref<2048xf32, #tpu.memory_space<hbm>>
    tpu.wait_dma2 semaphore(%arg14 : memref<!tpu.dma_semaphore, #tpu.memory_space<semaphore_mem>>) src(%dma_wait3A_59 : memref<2048xf32, #tpu.memory_space<hbm>>) dst(%arg11 : memref<2048xf32, #tpu.memory_space<vmem>>)
    %broadcast_in_dim3A = arith.constant 512 : i32
    %broadcast_in_dim3A_60 = vector.broadcast %broadcast_in_dim3A : i32 to vector<16xi32>
    %scan3A = arith.constant 0 : i32
    %scan3A_61 = arith.constant 0 : i32
    %scan3A_62 = arith.constant 128 : i32
    %scan3A_63 = arith.addi %scan3A_61, %scan3A_62 : i32
    %scan3A_64 = arith.constant 1 : i32
    scf.for %scan3A_68 = %scan3A_61 to %scan3A_63 step %scan3A_64  : i32 {
      %mul3A_69 = arith.constant 16 : i32
      %mul3A_70 = arith.muli %scan3A_68, %mul3A_69 : i32
      %get3A = arith.index_cast %mul3A_70 : i32 to index
      %get3A_71 = tpu.vector_load %arg9[%get3A] {strides = array<i32>} : memref<2048xi32, #tpu.memory_space<vmem>>, vector<16xi32>,
      %get3A_72 = arith.index_cast %mul3A_70 : i32 to index
      %get3A_73 = tpu.vector_load %arg8[%get3A_72] {strides = array<i32>} : memref<2048xi32, #tpu.memory_space<vmem>>, vector<16xi32>,
      %gather3A = tpu.vector_load_idx %arg12[%get3A_71, %get3A_73] : memref<8x640xf32, #tpu.memory_space<vmem>>[vector<16xi32>, vector<16xi32>], vector<16xf32>,
      %gather3A_74 = tpu.vector_load_idx %arg12[%get3A_71, %broadcast_in_dim3A_60] : memref<8x640xf32, #tpu.memory_space<vmem>>[vector<16xi32>, vector<16xi32>], vector<16xf32>,
      %get3A_75 = arith.index_cast %mul3A_70 : i32 to index
      %get3A_76 = tpu.vector_load %arg10[%get3A_75] {strides = array<i32>} : memref<2048xf32, #tpu.memory_space<vmem>>, vector<16xf32>,
      %get3A_77 = arith.index_cast %mul3A_70 : i32 to index
      %get3A_78 = tpu.vector_load %arg11[%get3A_77] {strides = array<i32>} : memref<2048xf32, #tpu.memory_space<vmem>>, vector<16xf32>,
      %mul3A_79 = arith.mulf %get3A_76, %get3A_78 : vector<16xf32>
      %mul3A_80 = arith.mulf %mul3A_79, %gather3A_74 : vector<16xf32>
      %add3A_81 = arith.addf %gather3A, %mul3A_80 : vector<16xf32>
      %swap3A = arith.index_cast %mul3A_70 : i32 to index
      %swap3A_82 = tpu.vector_load %arg13[%swap3A] {strides = array<i32>} : memref<2048xf32, #tpu.memory_space<vmem>>, vector<16xf32>,
      tpu.vector_store %arg13[%swap3A], %add3A_81 {strides = array<i32>} : memref<2048xf32, #tpu.memory_space<vmem>>, vector<16xf32>,
    }
    %scan3A_65 = arith.constant 128 : i32
    %mul3A_66 = arith.constant 2048 : i32
    %mul3A_67 = arith.muli %arg1, %mul3A_66 : i32
    "tpu.region"() ({
      %run_scoped3A = tpu.sem_alloc : memref<!tpu.dma_semaphore, #tpu.memory_space<semaphore_mem>>
      %dma_start3A_68 = tpu.memref_slice %arg7[%mul3A_67] : memref<32768xf32, #tpu.memory_space<hbm>> -> memref<2048xf32, #tpu.memory_space<hbm>>
      %dma_start3A_69 = tpu.memref_slice %arg7[%mul3A_67] : memref<32768xf32, #tpu.memory_space<hbm>> -> memref<2048xf32, #tpu.memory_space<hbm>>
      tpu.enqueue_dma source(%arg13 : memref<2048xf32, #tpu.memory_space<vmem>>) target(%dma_start3A_69 : memref<2048xf32, #tpu.memory_space<hbm>>) target_semaphore(%run_scoped3A : memref<!tpu.dma_semaphore, #tpu.memory_space<semaphore_mem>>)
      %dma_wait3A_70 = tpu.memref_slice %arg7[%mul3A_67] : memref<32768xf32, #tpu.memory_space<hbm>> -> memref<2048xf32, #tpu.memory_space<hbm>>
      %dma_wait3A_71 = tpu.memref_slice %arg7[%mul3A_67] : memref<32768xf32, #tpu.memory_space<hbm>> -> memref<2048xf32, #tpu.memory_space<hbm>>
      tpu.wait_dma2 semaphore(%run_scoped3A : memref<!tpu.dma_semaphore, #tpu.memory_space<semaphore_mem>>) src(%arg13 : memref<2048xf32, #tpu.memory_space<vmem>>) dst(%dma_wait3A_71 : memref<2048xf32, #tpu.memory_space<hbm>>)
      tpu.yield
    }) : () -> ()
    return
  }
}

module attributes {stable_mosaic.version = 14 : i64} {
  func.func @_table_body(%arg0: memref<512x768xf32, #tpu.memory_space<vmem>>, %arg1: memref<1x6144xf32, #tpu.memory_space<vmem>>, %arg2: memref<1x8xf32, #tpu.memory_space<vmem>>, %arg3: memref<8x640xf32, #tpu.memory_space<vmem>>) attributes {dimension_semantics = [], scalar_prefetch = 0 : i64, scratch_operands = 0 : i64, tpu.core_type = #tpu.core_type<tc>} {
    %get3A = arith.constant 0 : index
    %get3A_0 = arith.constant 0 : index
    %get3A_1 = vector.load %arg1[%get3A, %get3A_0] : memref<1x6144xf32, #tpu.memory_space<vmem>>, vector<1x768xf32>
    %get3A_2 = arith.constant 0 : index
    %get3A_3 = arith.constant 768 : index
    %get3A_4 = vector.load %arg1[%get3A_2, %get3A_3] : memref<1x6144xf32, #tpu.memory_space<vmem>>, vector<1x768xf32>
    %get3A_5 = arith.constant 0 : index
    %get3A_6 = arith.constant 1536 : index
    %get3A_7 = vector.load %arg1[%get3A_5, %get3A_6] : memref<1x6144xf32, #tpu.memory_space<vmem>>, vector<1x768xf32>
    %get3A_8 = arith.constant 0 : index
    %get3A_9 = arith.constant 2304 : index
    %get3A_10 = vector.load %arg1[%get3A_8, %get3A_9] : memref<1x6144xf32, #tpu.memory_space<vmem>>, vector<1x768xf32>
    %get3A_11 = arith.constant 0 : index
    %get3A_12 = arith.constant 3072 : index
    %get3A_13 = vector.load %arg1[%get3A_11, %get3A_12] : memref<1x6144xf32, #tpu.memory_space<vmem>>, vector<1x768xf32>
    %get3A_14 = arith.constant 0 : index
    %get3A_15 = arith.constant 3840 : index
    %get3A_16 = vector.load %arg1[%get3A_14, %get3A_15] : memref<1x6144xf32, #tpu.memory_space<vmem>>, vector<1x768xf32>
    %get3A_17 = arith.constant 0 : index
    %get3A_18 = arith.constant 4608 : index
    %get3A_19 = vector.load %arg1[%get3A_17, %get3A_18] : memref<1x6144xf32, #tpu.memory_space<vmem>>, vector<1x768xf32>
    %get3A_20 = arith.constant 0 : index
    %get3A_21 = arith.constant 5376 : index
    %get3A_22 = vector.load %arg1[%get3A_20, %get3A_21] : memref<1x6144xf32, #tpu.memory_space<vmem>>, vector<1x768xf32>
    %concatenate3A = tpu.concatenate %get3A_1, %get3A_4, %get3A_7, %get3A_10, %get3A_13, %get3A_16, %get3A_19, %get3A_22 in 0 : vector<1x768xf32>, vector<1x768xf32>, vector<1x768xf32>, vector<1x768xf32>, vector<1x768xf32>, vector<1x768xf32>, vector<1x768xf32>, vector<1x768xf32> -> vector<8x768xf32>
    %get3A_23 = arith.constant 0 : index
    %get3A_24 = arith.constant 0 : index
    %get3A_25 = vector.load %arg0[%get3A_23, %get3A_24] : memref<512x768xf32, #tpu.memory_space<vmem>>, vector<512x768xf32>
    %dot_general3A = arith.constant dense<0.000000e+00> : vector<8x512xf32>
    %dot_general3A_26 = tpu.matmul %concatenate3A, %get3A_25, %dot_general3A {dimension_numbers = #tpu.dot_dimension_numbers<[1], [1], [0], [0], [0, 0, 1, 0], [], []>, transpose_lhs_hint = false} : vector<8x768xf32>, vector<512x768xf32>, vector<8x512xf32> -> vector<8x512xf32>
    %get3A_27 = arith.constant 0 : index
    %get3A_28 = arith.constant 0 : index
    %get3A_29 = vector.load %arg2[%get3A_27, %get3A_28] : memref<1x8xf32, #tpu.memory_space<vmem>>, vector<1x8xf32>
    %reshape3A = vector.shape_cast %get3A_29 : vector<1x8xf32> to vector<8x1xf32>
    %add3A = vector.broadcast %reshape3A : vector<8x1xf32> to vector<8x512xf32>
    %add3A_30 = arith.addf %dot_general3A_26, %add3A : vector<8x512xf32>
    %swap3A = arith.constant 0 : index
    %swap3A_31 = arith.constant 0 : index
    %swap3A_32 = vector.load %arg3[%swap3A, %swap3A_31] : memref<8x640xf32, #tpu.memory_space<vmem>>, vector<8x512xf32>
    tpu.vector_store %arg3[%swap3A, %swap3A_31], %add3A_30 {strides = array<i32>} : memref<8x640xf32, #tpu.memory_space<vmem>>, vector<8x512xf32>,
    %reduce_sum3A = arith.constant dense<0.000000e+00> : vector<8xf32>
    %reduce_sum3A_33 = vector.multi_reduction <add>, %concatenate3A, %reduce_sum3A [1] : vector<8x768xf32> to vector<8xf32>
    %broadcast_in_dim3A = vector.shape_cast %reduce_sum3A_33 : vector<8xf32> to vector<8x1xf32>
    %broadcast_in_dim3A_34 = vector.shape_cast %broadcast_in_dim3A : vector<8x1xf32> to vector<8x1xf32>
    %broadcast_in_dim3A_35 = vector.broadcast %broadcast_in_dim3A_34 : vector<8x1xf32> to vector<8x128xf32>
    %swap3A_36 = arith.constant 0 : index
    %swap3A_37 = arith.constant 512 : index
    %swap3A_38 = vector.load %arg3[%swap3A_36, %swap3A_37] : memref<8x640xf32, #tpu.memory_space<vmem>>, vector<8x128xf32>
    tpu.vector_store %arg3[%swap3A_36, %swap3A_37], %broadcast_in_dim3A_35 {strides = array<i32>} : memref<8x640xf32, #tpu.memory_space<vmem>>, vector<8x128xf32>,
    return
  }
}

</mosaic_0001>

<sc_bundles>
// kernel: kernel.4.cloned.1.call-start
scs
__scs_entry_jumppad:
0x0: {  	(pc) =	sbr.rel $0x88, $3  }
0x1: {  	(tag) =	ssettag $0x0;
	lr =	simm.s32 $0x1  }
0x2: {  	[smem:$0x3F9A] =	sst lr;
	_ =	strace $0xD0000000  }
0x3: {  	_ = 	snop  }
0x4: {  	_ = 	snop  }
0x5: {  	_ = 	snop  }
0x6: {  	_ = 	snop  }
0x7: {  	_ = 	snop  }
__scs_overlays_trampoline_lowered:
0x8: {  	[smem:$0x3FA9] =	sst s0  }
0x9: {  	[smem:$0x3FAA] =	sst s1  }
0xa: {  	[smem:$0x3FAB] =	sst s2  }
0xb: {  	[smem:$0x3FAC] =	sst s3  }
0xc: {  	[smem:$0x3FAD] =	sst s4  }
0xd: {  	[smem:$0x3FAE] =	sst s5  }
0xe: {  	[smem:$0x3FAF] =	sst s6  }
0xf: {  	[smem:$0x3FB0] =	sst s7  }
0x10: {  	[smem:$0x3FB1] =	sst s8  }
0x11: {  	[smem:$0x3FB2] =	sst s9;
	s0 =	simm.s32 @!p0 $0x0  }
0x12: {  	s1 =	sld [smem:$0x3F98];
	s0 =	simm.s32 @p0 $0x1  }
0x13: {  	[smem:$0x3FB3] =	sst s0;
	s0 =	simm.s32 @!p1 $0x0  }
0x14: {  	s2 =	sld [smem:$0x3F97];
	s0 =	simm.s32 @p1 $0x1  }
0x15: {  	[smem:$0x3FB4] =	sst s0;
	s0 =	simm.s32 @!p2 $0x0  }
0x16: {  	s3 =	sld [smem:$0x3FDB];
	s0 =	simm.s32 @p2 $0x1  }
0x17: {  	s4 =	simm.s32 $0x1BF5;
	[smem:$0x3FB6] =	sst s0  }
0x18: {  	s0 =	sld [smem:$0x3F99];
	_ =	swait.ge [sflag:s4], $0x0  }
0x19: {  	s7 =	sld [smem:$0x3F9A]  }
0x1a: {  	s8 =	sadd.s32 $0xFFFFE003, lr  }
0x1b: {  	s9 =	sadd.s32 $0xFFFFFEF7, lr;
	s5 =	simm.s32 $0xFFFFFFFF;
	p2 =	slt.u32 s8, $0xFFFFF086  }
0x1c: {  	p1 =	slt.u32 s9, $0xF7A;
	s5 =	simm.s32 @!p2 $0x0  }
0x1d: {  	s5 =	simm.s32 @p1 $0x1;
	p0 =	seq.s32 s7, s2  }
0x1e: {  	s7 =	smul.u32 @!p0 $0xF7A, s2;
	p2 =	seq.s32 @!p0 s5, $0x0  }
0x1f: {  	s9 =	smul.u32 $0xF7A, s1;
	s8 =	simm.s32 @!p0 $0x1BF5;
	p2 =	por !p2, p0  }
0x20: {  	[sflag:s8] =	ssyncset.s32 @!p0 $0xFFFFF086;
	s6 =	sadd.s32 @!p0 s3, s7;
	s7 =	simm.s32 @!p0 $0x108  }
0x21: {  	s3 =	sadd.s32 s3, s9;
	s6 =	sadd.s32 @!p0 $0x88, s6;
	s7 =	simm.s32 @p2 $0x1082  }
0x22: {  	[simem:s7], [sflag:s8] =	dma.local @!p0 [hbm:s6], $0xF7A  }
0x23: {  	s9 =	sor.u32 $0xD0000000, s2;
	s6 =	simm.s32 $0x108;
	_ =	swait.ge @!p0 [sflag:s8], $0x0  }
0x24: {  	s3 =	sadd.s32 $0x88, s3;
	s6 =	simm.s32 @!p1 $0x1082;
	[sflag:s4] =	ssyncset.s32 $0xFFFFF086  }
0x25: {  	[simem:s6], [sflag:s4] =	dma.local [hbm:s3], $0xF7A  }
0x26: {  	[smem:$0x3F9A] =	sst s1;
	(tag) =	ssettag s2;
	_ =	strace s9  }
0x27: {  	s1 =	sld [smem:$0x3FAA]  }
0x28: {  	s2 =	sld [smem:$0x3FAB]  }
0x29: {  	s4 =	sld [smem:$0x3FAD]  }
0x2a: {  	p0 =	seq.s32 s5, $0x0;
	s5 =	sld [smem:$0x3FAE]  }
0x2b: {  	s6 =	sld [smem:$0x3FAF]  }
0x2c: {  	s7 =	sld [smem:$0x3FB0]  }
0x2d: {  	s3 =	simm.s32 $0x108;
	s8 =	sld [smem:$0x3FB1]  }
0x2e: {  	s3 =	simm.s32 @!p0 $0x1082;
	s9 =	sld [smem:$0x3FB2]  }
0x2f: {  	lr =	sadd.s32 s0, s3;
	s0 =	sld [smem:$0x3FA9]  }
0x30: {  	s3 =	sld [smem:$0x3FAC]  }
0x31: {  	[smem:$0x3FB5] =	sst s10  }
0x32: {  	s10 =	sld [smem:$0x3FB3];
	_ =	sdelay $0x3  }
0x33: {  	p0 =	seq.s32 s10, $0x1;
	s10 =	sld [smem:$0x3FB5];
	_ =	sdelay $0x3  }
0x34: {  	[smem:$0x3FB5] =	sst s10  }
0x35: {  	s10 =	sld [smem:$0x3FB4];
	_ =	sdelay $0x3  }
0x36: {  	p1 =	seq.s32 s10, $0x1;
	s10 =	sld [smem:$0x3FB5];
	_ =	sdelay $0x3  }
0x37: {  	[smem:$0x3FB5] =	sst s10  }
0x38: {  	s10 =	sld [smem:$0x3FB6]  }
0x39: {  	_ = 	snop;
	(pc) =	sbr.ind lr, $3  }
0x3a: {  	_ = 	snop  }
0x3b: {  	_ = 	snop  }
0x3c: {  	p2 =	seq.s32 s10, $0x1;
	s10 =	sld [smem:$0x3FB5]  }
0x3d: {  	_ =	shalt  }
0x3e: {  	_ =	shalt  }
0x3f: {  	_ =	shalt  }
0x40: {  	_ =	shalt  }
0x41: {  	_ =	shalt  }
0x42: {  	_ =	shalt  }
0x43: {  	_ =	shalt  }
0x44: {  	_ =	shalt  }
0x45: {  	_ =	shalt  }
0x46: {  	_ =	shalt  }
0x47: {  	_ =	shalt  }
0x48: {  	_ =	shalt  }
0x49: {  	_ =	shalt  }
0x4a: {  	_ =	shalt  }
0x4b: {  	_ =	shalt  }
0x4c: {  	_ =	shalt  }
0x4d: {  	_ =	shalt  }
0x4e: {  	_ =	shalt  }
0x4f: {  	_ =	shalt  }
0x50: {  	_ =	shalt  }
0x51: {  	_ =	shalt  }
0x52: {  	_ =	shalt  }
0x53: {  	_ =	shalt  }
0x54: {  	_ =	shalt  }
0x55: {  	_ =	shalt  }
0x56: {  	_ =	shalt  }
0x57: {  	_ =	shalt  }
0x58: {  	_ =	shalt  }
0x59: {  	_ =	shalt  }
0x5a: {  	_ =	shalt  }
0x5b: {  	_ =	shalt  }
0x5c: {  	_ =	shalt  }
0x5d: {  	_ =	shalt  }
0x5e: {  	_ =	shalt  }
0x5f: {  	_ =	shalt  }
0x60: {  	_ =	shalt  }
0x61: {  	_ =	shalt  }
0x62: {  	_ =	shalt  }
0x63: {  	_ =	shalt  }
0x64: {  	_ =	shalt  }
0x65: {  	_ =	shalt  }
0x66: {  	_ =	shalt  }
0x67: {  	_ =	shalt  }
0x68: {  	_ =	shalt  }
0x69: {  	_ =	shalt  }
0x6a: {  	_ =	shalt  }
0x6b: {  	_ =	shalt  }
0x6c: {  	_ =	shalt  }
0x6d: {  	_ =	shalt  }
0x6e: {  	_ =	shalt  }
0x6f: {  	_ =	shalt  }
0x70: {  	_ =	shalt  }
0x71: {  	_ =	shalt  }
0x72: {  	_ =	shalt  }
0x73: {  	_ =	shalt  }
0x74: {  	_ =	shalt  }
0x75: {  	_ =	shalt  }
0x76: {  	_ =	shalt  }
0x77: {  	_ =	shalt  }
0x78: {  	_ =	shalt  }
0x79: {  	_ =	shalt  }
0x7a: {  	_ =	shalt  }
0x7b: {  	_ =	shalt  }
0x7c: {  	_ =	shalt  }
0x7d: {  	_ =	shalt  }
0x7e: {  	_ =	shalt  }
0x7f: {  	_ =	shalt  }
0x80: {  	_ =	shalt  }
0x81: {  	_ =	shalt  }
0x82: {  	_ =	shalt  }
0x83: {  	_ =	shalt  }
0x84: {  	_ =	shalt  }
0x85: {  	_ =	shalt  }
0x86: {  	_ =	shalt  }
0x87: {  	_ =	shalt  }
.Lfunc_end0:
.L_simem_size_0:
called_computation_lowered:
.L_overlay_start_0:
0x88: {  	s0 =	sld [smem:$0x3FD9]  }
0x89: {  	s1 =	sld [smem:$0x3FFE];
	_ =	sdelay $0x3  }
0x8a: {  	s0 =	sadd.s32 s1, s0  }
0x8b: {  	[smem:$0x3FC1] =	sst s0  }
0x8c: {  	_ = 	snop  }
0x8d: {  	s0 =	sld [smem:$0x3FC9]  }
0x8e: {  	s16 =	sld [smem:$0x3FC8]  }
0x8f: {  	s2 =	sld [smem:$0x3FC7]  }
0x90: {  	s3 =	sld [smem:$0x3FC6]  }
0x91: {  	s4 =	sld [smem:$0x3FD0];
	(tm) =	ssettm $0x1  }
0x92: {  	s5 =	sld [smem:$0x3FFB];
	_ =	sdelay $0x3  }
0x93: {  	_ =	strace s5  }
0x94: {  	s5 =	sld [smem:$0x3FFC];
	_ =	sdelay $0x3  }
0x95: {  	_ =	strace s5  }
0x96: {  	s5 =	sld [smem:$0x3FFD];
	_ =	sdelay $0x3  }
0x97: {  	_ =	strace s5  }
0x98: {  	_ =	strace $0x8FFFFFFF  }
0x99: {  	s17 =	sld [smem:$0x3FDB];
	_ =	sdelay $0x1  }
0x9a: {  	s6 =	simm.s32 $_scs_section_size  }
0x9b: {  	s7 =	simm.s32 $_size__tile_overlayer_lowered;
	s8 =	simm.s32 $_tile_overlayer_lowered  }
0x9c: {  	s20 =	simm.s32 $0x1BFF;
	s19 =	sshll.u32 s8, $0x1;
	s5 =	sadd.s32 s6, s17  }
0x9d: {  	s9 =	simm.s32 $0x0;
	s18 =	sshll.u32 s7, $0x1;
	s7 =	sadd.s32 s19, s5  }
0x9e: {  	[timem:s9], [sflag:s20] =	dma.local [hbm:s7], s18  }
0x9f: {  	_ =	swait.ge [sflag:s20], s18  }
0xa0: {  	s6 =	ssub.s32 $0x0, s18;
	[sflag:s20] =	ssyncset.done $0x0  }
0xa1: {  	[sflag:s20] =	ssyncadd.s32 s6;
	_ =	sdelay $0x1  }
0xa2: {  	s21 =	simm.s32 $0x1B8B  }
0xa3: {  	_ =	swait.ge [sflag:s21], $0x1  }
0xa4: {  	[sflag:s21] =	ssyncset.done $0x0  }
0xa5: {  	s23 =	simm.s32 $0x1B8E;
	s22 =	sld [smem:$0x3FFE];
	[sflag:s21] =	ssyncadd.s32 $0xFFFFFFFF  }
0xa6: {  	s24 =	simm.s32 $execute0_lowered;
	[smem:$0x3FD2] =	sst s23  }
0xa7: {  	s7 =	sshll.u32 s24, $0x1;
	_ =	strace $0x80000046;
	[dreg:$0x1] =	wrdreg $0xFFFFFFFF  }
0xa8: {  	s25 =	simm.s32 $_size_execute0_lowered;
	s5 =	sadd.s32 s5, s7;
	[dreg:$0x0] =	wrdreg $0x0  }
0xa9: {  	s7 =	sshll.u32 s25, $0x1;
	[dreg:$0x2] =	wrdreg s5  }
0xaa: {  	[dreg:$0x3] =	wrdreg s7  }
0xab: {  	[dreg:$0x4] =	wrdreg $0xC0  }
0xac: {  	_ =	task [dreg:s9], $0x5FFFF  }
0xad: {  	[dreg:$0x1] =	wrdreg $0xFFFFFFFF  }
0xae: {  	[dreg:$0x0] =	wrdreg $0x60  }
0xaf: {  	[dreg:$0x2] =	wrdreg s0  }
0xb0: {  	[dreg:$0x3] =	wrdreg s16  }
0xb1: {  	[dreg:$0x4] =	wrdreg s2  }
0xb2: {  	[dreg:$0x5] =	wrdreg s3  }
0xb3: {  	[dreg:$0x6] =	wrdreg s22  }
0xb4: {  	[dreg:$0x7] =	wrdreg s4  }
0xb5: {  	[dreg:$0x8] =	wrdreg $0x9  }
0xb6: {  	_ =	task.clear_ibuf [dreg:s9], $0x9FFFF;
	_ =	strace $0x90000046  }
0xb7: {  	s26 =	simm.s32 $0x9;
	_ =	strace $0x80000048  }
0xb8: {  	_ =	swait.ge [sflag:s26], $0x1  }
0xb9: {  	[sflag:s26] =	ssyncadd.s32 $0xFFFFFFFF  }
0xba: {  	_ =	strace $0x90000048  }
0xbb: {  	_ =	sfence  }
0xbc: {  	s28 =	sld [smem:$0x0];
	_ =	sdelay $0x1  }
0xbd: {  	s29 =	srdreg.scid  }
0xbe: {  	s30 =	sshll.u32 s29, $0xD;
	s31 =	sshrl.u32 s29, $0x2  }
0xbf: {  	s1 =	sand.u32 $0x1, s29;
	s2 =	sand.u32 $0x4000, s30;
	s0 =	sadd.s32 s31, s28  }
0xc0: {  	s1 =	sor.u32 s2, s1;
	s0 =	sshll.u32 s0, $0x11  }
0xc1: {  	s0 =	sor.u32 s0, s1  }
0xc2: {  	s0 =	sadd.s32 $0x8F2B, s0  }
0xc3: {  	[sflag:s0] =	ssyncadd.remote.s32 $0x1  }
0xc4: {  	_ =	sfence.sel $0xFFFF  }
0xc5: {  	[dreg:$0x0] =	wrdreg $0xFFFFFFFF;
	(pc) =	sbr.abs _section_cstart, $3  }
0xc6: {  	[dreg:$0x1] =	wrdreg $0xFFFFFFFF  }
0xc7: {  	_ =	task.clear_ibuf [dreg:s9], $0x2FFFF;
	_ =	strace $0x9FFFFFFF  }
0xc8: {  	(tm) =	ssettm $0x7FFFFFFF  }
0xc9: {  	_ =	shalt  }
tec
execute0_lowered:
.L_overlay_start_1:
0x0: {  	(tag) =	ssettag $0x1  }
0x1: {  	s4 =	rddreg [dreg:$0x0]  }
0x2: {  	s5 =	rddreg [dreg:$0x1]  }
0x3: {  	s6 =	rddreg [dreg:$0x2]  }
0x4: {  	s7 =	rddreg [dreg:$0x3]  }
0x5: {  	s3 =	rddreg [dreg:$0x4]  }
0x6: {  	s2 =	rddreg [dreg:$0x5]  }
0x7: {  	s0 =	rddreg [dreg:$0x6];
	s1 =	stileid.u32  }
0x8: {  	s8 =	simm.s32 $0x0;
	s9 =	sshll.u32 s1, $0xA;
	s10 =	sshll.u32 s1, $0x2  }
0x9: {  	[smem:$0x7FF] =	sst s8;
	s22 =	sadd.s32 $0xC00, s3;
	s9 =	sor.u32 s10, s9  }
0xa: {  	s3 =	simm.s32 $0x2000;
	_ =	strace $0x80000047;
	s9 =	sand.u32 $0xC30, s9  }
0xb: {  	[tilespmem:s3], [sflag:$0x1] =	stream.linear.gather [hbm4b:s22+s8], $0x1400, $0x38;
	[tilespmem:$0x3C00] =	vst v63  }
0xc: {  	s23 =	simm.s32 $0x80;
	s11 =	simm.s32 $0x200;
	s4 =	sadd.s32 s4, s9  }
0xd: {  	[tilespmem:s8], [sflag:$0x1] =	stream.strided.gather [hbm4b:s4+s23], $0x800, s11, s23, $0x38;
	[tilespmem:$0x3C00] =	vst v63  }
0xe: {  	s25 =	simm.s32 $0x800;
	s24 =	sadd.s32 s5, s9  }
0xf: {  	[tilespmem:s25], [sflag:$0x1] =	stream.strided.gather [hbm4b:s24+s23], $0x800, s11, s23, $0x38;
	[tilespmem:$0x3C00] =	vst v63  }
0x10: {  	s28 =	simm.s32 $0x1000;
	s26 =	sadd.s32 s6, s9  }
0x11: {  	[tilespmem:s28], [sflag:$0x1] =	stream.strided.gather [hbm4b:s26+s23], $0x800, s11, s23, $0x38;
	[tilespmem:$0x3C00] =	vst v63  }
0x12: {  	s30 =	simm.s32 $0x1800;
	s31 =	simm.s32 $0x1;
	s29 =	sadd.s32 s7, s9  }
0x13: {  	[tilespmem:s30], [sflag:$0x1] =	stream.strided.gather [hbm4b:s29+s23], $0x800, s11, s23, $0x38;
	[tilespmem:$0x3C00] =	vst v63  }
0x14: {  	_ =	swait.ge [sflag:s31], $0x1400  }
0x15: {  	[sflag:s31] =	ssyncset.done $0x0  }
0x16: {  	[sflag:s31] =	ssyncadd.s32 $0xFFFFEC00  }
0x17: {  	_ =	swait.ge [sflag:s31], $0x800  }
0x18: {  	[sflag:s31] =	ssyncset.done $0x0  }
0x19: {  	[sflag:s31] =	ssyncadd.s32 $0xFFFFF800  }
0x1a: {  	_ =	swait.ge [sflag:s31], $0x800  }
0x1b: {  	[sflag:s31] =	ssyncset.done $0x0  }
0x1c: {  	[sflag:s31] =	ssyncadd.s32 $0xFFFFF800  }
0x1d: {  	_ =	swait.ge [sflag:s31], $0x800  }
0x1e: {  	[sflag:s31] =	ssyncset.done $0x0  }
0x1f: {  	[sflag:s31] =	ssyncadd.s32 $0xFFFFF800  }
0x20: {  	_ =	swait.ge [sflag:s31], $0x800  }
0x21: {  	[sflag:s31] =	ssyncset.done $0x0  }
0x22: {  	s5 =	simm.s32 $0x0;
	[sflag:s31] =	ssyncadd.s32 $0xFFFFF800  }
0x23: {  	v0 =	vld [tilespmem:s5+$0x800];
	_ =	sdelay $0x1  }
0x24: {  	v1 =	vld [tilespmem:s5+$0x0];
	_ =	sdelay $0x2  }
0x25: {  	v2 =	vshrl.u32 v0, $0x3  }
0x26: {  	v0 =	vshll.u32 v0, $0x7;
	v2 =	vmul.u32 $0x1400, v2  }
0x27: {  	v4 =	vshll.u32 v1, $0x3;
	v0 =	vand.u32 $0x380, v0  }
0x28: {  	s4 =	simm.s32 $0x10;
	v4 =	vand.u32 $0xFFFFFC00, v4;
	v3 =	vor.u32 v0, v2  }
0x29: {  	v6 =	vld [tilespmem:s4+$0x800];
	v1 =	vand.u32 $0x7F, v1;
	v2 =	vadd.s32 v2, v4;
	v3 =	vadd.s32 $0x1000, v3  }
0x2a: {  	v5 =	vld [tilespmem:s5+$0x1000];
	v1 =	vor.u32 v1, v2  }
0x2b: {  	v7 =	vld [tilespmem:s5+$0x1800];
	v0 =	vor.u32 v0, v1  }
0x2c: {  	v4 =	vld [tilespmem:s4+$0x0];
	_ =	sdelay $0x1  }
0x2d: {  	v1 =	vshrl.u32 v6, $0x3;
	v8 =	vld.idx.msk [tilespmem:v3+s3+$0x0], $0xffff  }
0x2e: {  	v3 =	vmul.u32 $0x1400, v1;
	v1 =	vshll.u32 v6, $0x7  }
0x2f: {  	v2 =	vand.u32 $0x380, v1;
	v1 =	vld.idx.msk [tilespmem:v0+s3+$0x0], $0xffff  }
0x30: {  	v5 =	vmul.f32 v7, v5;
	v6 =	vshll.u32 v4, $0x3  }
0x31: {  	v6 =	vand.u32 $0xFFFFFC00, v6;
	v0 =	vand.u32 $0x7F, v4;
	v4 =	vor.u32 v2, v3  }
0x32: {  	v6 =	vadd.s32 v3, v6;
	v3 =	vadd.s32 $0x1000, v4;
	v4 =	vmul.f32 v5, v8  }
0x33: {  	s6 =	simm.s32 $0x20;
	s7 =	simm.s32 $0xC0;
	v5 =	vor.u32 v0, v6;
	v0 =	vld [tilespmem:s4+$0x1000]  }
.LBB2_1:
0x34: {  	p0 =	sne.s32 s7, $0x1FC0;
	v6 =	vld [tilespmem:s6+$0x800];
	v2 =	vor.u32 v2, v5;
	v1 =	vadd.f32 v4, v1  }
0x35: {  	v4 =	vld [tilespmem:s4+$0x1800]  }
0x36: {  	v5 =	vld [tilespmem:s6+$0x0];
	[tilespmem:s5+$0x3400] =	vst v1;
	s5 =	smov.u32 s4;
	s4 =	smov.u32 s6  }
0x37: {  	v7 =	vld.idx.msk [tilespmem:v3+s3+$0x0], $0xffff;
	_ =	sdelay $0x1  }
0x38: {  	v3 =	vshrl.u32 v6, $0x3;
	v1 =	vld.idx.msk [tilespmem:v2+s3+$0x0], $0xffff  }
.Ltmp0:
0x39: {  	v2 =	vshll.u32 v6, $0x7;
	v3 =	vmul.u32 $0x1400, v3;
	(pc) =	sbr.rel @p0 .LBB2_1-.Ltmp0, $4  }
0x3a: {  	v2 =	vand.u32 $0x380, v2;
	v0 =	vmul.f32 v4, v0;
	v6 =	vshll.u32 v5, $0x3  }
0x3b: {  	v5 =	vand.u32 $0x7F, v5;
	v4 =	vand.u32 $0xFFFFFC00, v6;
	v6 =	vor.u32 v2, v3  }
0x3c: {  	v8 =	vadd.s32 v3, v4;
	v3 =	vadd.s32 $0x1000, v6;
	v4 =	vmul.f32 v0, v7  }
0x3d: {  	s6 =	sshra.s32 s7, $0x2;
	s7 =	sadd.s32 $0x40, s7;
	v5 =	vor.u32 v5, v8;
	v0 =	vld [tilespmem:s4+$0x1000]  }
0x3e: {  	v6 =	vld [tilespmem:s6+$0x800]  }
0x3f: {  	v2 =	vor.u32 v2, v5;
	v1 =	vadd.f32 v4, v1;
	v54 =	vld [tilespmem:s4+$0x1800]  }
0x40: {  	v55 =	vld [tilespmem:s6+$0x0]  }
0x41: {  	[tilespmem:s5+$0x3400] =	vst v1  }
0x42: {  	v1 =	vld.idx.msk [tilespmem:v3+s3+$0x0], $0xffff  }
0x43: {  	v56 =	vshrl.u32 v6, $0x3  }
0x44: {  	v2 =	vld.idx.msk [tilespmem:v2+s3+$0x0], $0xffff;
	v6 =	vshll.u32 v6, $0x7;
	v3 =	vmul.u32 $0x1400, v56  }
0x45: {  	v7 =	vshll.u32 v55, $0x3;
	v0 =	vmul.f32 v54, v0;
	v6 =	vand.u32 $0x380, v6  }
0x46: {  	v57 =	vand.u32 $0x7F, v55;
	v58 =	vand.u32 $0xFFFFFC00, v7;
	v59 =	vor.u32 v6, v3  }
0x47: {  	v3 =	vadd.s32 v3, v58;
	v0 =	vmul.f32 v0, v1;
	v60 =	vadd.s32 $0x1000, v59  }
0x48: {  	v61 =	vor.u32 v57, v3  }
0x49: {  	v62 =	vld [tilespmem:s6+$0x1000];
	v1 =	vor.u32 v6, v61;
	v0 =	vadd.f32 v0, v2  }
0x4a: {  	v63 =	vld [tilespmem:s6+$0x1800]  }
0x4b: {  	[tilespmem:s4+$0x3400] =	vst v0  }
0x4c: {  	v0 =	vld.idx.msk [tilespmem:v60+s3+$0x0], $0xffff;
	_ =	sdelay $0x1  }
0x4d: {  	v1 =	vld.idx.msk [tilespmem:v1+s3+$0x0], $0xffff  }
0x4e: {  	v2 =	vmul.f32 v63, v62;
	_ =	sdelay $0x1  }
0x4f: {  	v0 =	vmul.f32 v2, v0;
	_ =	sdelay $0x1  }
0x50: {  	v0 =	vadd.f32 v0, v1  }
0x51: {  	s28 =	sshll.u32 s1, $0x8;
	s29 =	simm.s32 $0x0  }
0x52: {  	s30 =	simm.s32 $0x3400;
	s31 =	simm.s32 $0x2;
	s2 =	sadd.s32 s2, s28;
	[tilespmem:s6+$0x3400] =	vst v0  }
0x53: {  	[hbm4b:s2+s29] =	stream.linear.scatter [tilespmem:s30], [sflag:$0x2], $0x800, $0x38;
	[tilespmem:$0x3C00] =	vst v63  }
0x54: {  	_ =	swait.ge [sflag:s31], $0x800  }
0x55: {  	[sflag:s31] =	ssyncset.done $0x0  }
0x56: {  	[sflag:s31] =	ssyncadd.s32 $0xFFFFF800  }
0x57: {  	_ =	sfence.sel $0x180000  }
0x58: {  	[bflag:$0x0] =	sbarrier.arrive $0xFFFF  }
0x59: {  	p0 =	sne.s32 s1, $0x0;
	_ =	strace $0x90000047  }
0x5a: {  	s0 =	sadd.s32 @!p0 $0x100000, s0;
	[bflag:$0x2] =	sbarrier.arrive $0xFFFF  }
0x5b: {  	[sflag:s0] =	ssyncadd.tile.s32 @!p0 $0x1;
	_ =	shalt  }
.Lfunc_end2:
_tile_overlayer_lowered:
.L_overlay_start_2:
0x5c: {  	(tag) =	ssettag $0x2  }
0x5d: {  	s0 =	rddreg [dreg:$0x0];
	s2 =	stileid.u32  }
0x5e: {  	s1 =	rddreg [dreg:$0x1];
	p0 =	sne.s32 s2, $0x0  }
0x5f: {  	s3 =	rddreg [dreg:$0x2];
	[bflag:$0x3] =	sbarrier.arrive $0xFFFF;
	s2 =	simm.s32 @!p0 $0x1C02  }
0x60: {  	[timem:s3], [sflag:s2] =	dma.local @!p0 [hbm:s0], s1  }
0x61: {  	s0 =	simm.s32 @!p0 $0x2  }
0x62: {  	_ =	swait.ge @!p0 [sflag:s0], s1  }
0x63: {  	s1 =	ssub.s32 @!p0 $0x0, s1;
	[sflag:s0] =	ssyncset.done @!p0 $0x0  }
0x64: {  	[sflag:s0] =	ssyncadd.s32 @!p0 s1  }
0x65: {  	[bflag:$0x3] =	sbarrier.arrive $0xFFFF  }
0x66: {  	_ =	shalt  }

</sc_bundles>
